<compile_context>
chip_gen: v7x
topology: tpu7x:2x2x1
jax: 0.10.2.dev20260603
libtpu: 0.0.44.dev20260713+nightly
codegen_flags: <defaults>
</compile_context>

<pallas_src>
import jax
import jax.numpy as jnp
from jax.experimental import pallas as pl

_N = 26


def _onehot_body(idx_ref, sel_ref, kpat_ref, out_ref):
    x = idx_ref[...].astype(jnp.bfloat16)
    y = jax.lax.dot_general(x, sel_ref[...], (((1,), (0,)), ((), ())),
                            preferred_element_type=jnp.float32)
    out_ref[...] = jnp.where(y == kpat_ref[...], 1, 0).astype(jnp.int32)


def kernel(idxs_vec):
    b, l = idxs_vec.shape
    f = l * _N
    r = 256
    sel = jnp.repeat(jnp.eye(l, dtype=jnp.bfloat16), _N, axis=1)
    kpat = (jnp.arange(f, dtype=jnp.int32) % _N).astype(jnp.float32)[None, :]
    out2d = pl.pallas_call(
        _onehot_body,
        grid=(b // r,),
        in_specs=[
            pl.BlockSpec((r, l), lambda i: (i, 0)),
            pl.BlockSpec((l, f), lambda i: (0, 0)),
            pl.BlockSpec((1, f), lambda i: (0, 0)),
        ],
        out_specs=pl.BlockSpec((r, f), lambda i: (i, 0)),
        out_shape=jax.ShapeDtypeStruct((b, f), jnp.int32),
    )(idxs_vec, sel, kpat)
    return out2d.reshape(b, l, _N)

# --- scband reference (transcript-rebuilt; emitter-appended) ---
"""Pipeline reference for scband-onehot-embedding-44375602102609 (READ-ONLY COPY).

The authoritative reference and input builder live on the scoring server;
editing this copy changes nothing except your own understanding.
"""

import jax, jax.numpy as jnp
import numpy as np

VOCAB = [chr(ord('A') + i) for i in range(26)]
N_DIMS = len(VOCAB)


def setup_inputs(seed: int = 0) -> dict:
    key = jax.random.key(seed)
    idxs_vec = jax.random.randint(key, (4096, 200), 0, N_DIMS, dtype=jnp.int32)
    return {"idxs_vec": idxs_vec}


def reference(idxs_vec):
    # Faithful translation of nn.functional.one_hot(idxs_vec, n_dims).
    # torch.one_hot returns int64; JAX default config disables x64 so we emit int32,
    # which is numerically identical (values are 0/1).
    onht_mat = (idxs_vec[..., None] == jnp.arange(N_DIMS, dtype=idxs_vec.dtype)).astype(jnp.int32)
    return onht_mat

if __name__ == "__main__":
    import jax
    _d = setup_inputs()
    print(jax.jit(kernel)(*tuple(_d.values())))

</pallas_src>

<mosaic_0001>
module attributes {stable_mosaic.version = 14 : i64} {
  func.func @_onehot_body(%arg0: i32, %arg1: memref<256x200xi32, #tpu.memory_space<vmem>>, %arg2: memref<200x5200xbf16, #tpu.memory_space<vmem>>, %arg3: memref<1x5200xf32, #tpu.memory_space<vmem>>, %arg4: memref<256x5200xi32, #tpu.memory_space<vmem>>) attributes {dimension_semantics = [#tpu.dimension_semantics<arbitrary>], iteration_bounds = array<i64: 16>, scalar_prefetch = 0 : i64, scratch_operands = 0 : i64, tpu.core_type = #tpu.core_type<tc>, window_params = [{transform_indices = @transform_0, window_bounds = array<i64: 256, 200>}, {pipeline_mode = #tpu.pipeline_mode<synchronous>, transform_indices = @transform_1, window_bounds = array<i64: 200, 5200>}, {pipeline_mode = #tpu.pipeline_mode<synchronous>, transform_indices = @transform_2, window_bounds = array<i64: 1, 5200>}, {transform_indices = @transform_3, window_bounds = array<i64: 256, 5200>}]} {
    %get3A = arith.constant 0 : index
    %get3A_0 = arith.constant 0 : index
    %get3A_1 = vector.load %arg1[%get3A, %get3A_0] : memref<256x200xi32, #tpu.memory_space<vmem>>, vector<256x200xi32>
    %convert_element_type3A = arith.sitofp %get3A_1 : vector<256x200xi32> to vector<256x200xbf16>
    %get3A_2 = arith.constant 0 : index
    %get3A_3 = arith.constant 0 : index
    %get3A_4 = vector.load %arg2[%get3A_2, %get3A_3] : memref<200x5200xbf16, #tpu.memory_space<vmem>>, vector<200x5200xbf16>
    %dot_general3A = arith.constant dense<0.000000e+00> : vector<256x5200xf32>
    %dot_general3A_5 = tpu.matmul %convert_element_type3A, %get3A_4, %dot_general3A {dimension_numbers = #tpu.dot_dimension_numbers<[1], [0], [0], [1], [0, 0, 1, 1], [], []>, transpose_lhs_hint = false} : vector<256x200xbf16>, vector<200x5200xbf16>, vector<256x5200xf32> -> vector<256x5200xf32>
    %get3A_6 = arith.constant 0 : index
    %get3A_7 = arith.constant 0 : index
    %get3A_8 = vector.load %arg3[%get3A_6, %get3A_7] : memref<1x5200xf32, #tpu.memory_space<vmem>>, vector<1x5200xf32>
    %eq3A = vector.broadcast %get3A_8 : vector<1x5200xf32> to vector<256x5200xf32>
    %eq3A_9 = arith.cmpf oeq, %dot_general3A_5, %eq3A : vector<256x5200xf32>
    %jit3A = arith.constant 1 : i32
    %jit3A_10 = arith.constant 0 : i32
    %broadcast_in_dim3A = vector.broadcast %jit3A : i32 to vector<256x5200xi32>
    %broadcast_in_dim3A_11 = vector.broadcast %jit3A_10 : i32 to vector<256x5200xi32>
    %select_n3A = arith.select %eq3A_9, %broadcast_in_dim3A, %broadcast_in_dim3A_11 : vector<256x5200xi1>, vector<256x5200xi32>
    %swap3A = arith.constant 0 : index
    %swap3A_12 = arith.constant 0 : index
    %swap3A_13 = vector.load %arg4[%swap3A, %swap3A_12] : memref<256x5200xi32, #tpu.memory_space<vmem>>, vector<256x5200xi32>
    tpu.vector_store %arg4[%swap3A, %swap3A_12], %select_n3A {strides = array<i32>} : memref<256x5200xi32, #tpu.memory_space<vmem>>, vector<256x5200xi32>,
    return
  }
  func.func @transform_0(%arg0: i32) -> (i32, i32) {
    %c0_i32 = arith.constant 0 : i32
    %c0_i32_0 = arith.constant 0 : i32
    return %arg0, %c0_i32 : i32, i32
  }
  func.func @transform_1(%arg0: i32) -> (i32, i32) {
    %c0_i32 = arith.constant 0 : i32
    %c0_i32_0 = arith.constant 0 : i32
    %c0_i32_1 = arith.constant 0 : i32
    return %c0_i32, %c0_i32_0 : i32, i32
  }
  func.func @transform_2(%arg0: i32) -> (i32, i32) {
    %c0_i32 = arith.constant 0 : i32
    %c0_i32_0 = arith.constant 0 : i32
    %c0_i32_1 = arith.constant 0 : i32
    return %c0_i32, %c0_i32_0 : i32, i32
  }
  func.func @transform_3(%arg0: i32) -> (i32, i32) {
    %c0_i32 = arith.constant 0 : i32
    %c0_i32_0 = arith.constant 0 : i32
    return %arg0, %c0_i32 : i32, i32
  }
}

</mosaic_0001>

<sc_bundles>
// kernel: sparse-core-data-format-call.cloned.1.call-start
scs
called_computation_lowered:
.L_overlay_start_0:
0x0: {  	s2 =	sld [smem:$0x3FD9]  }
0x1: {  	s3 =	sld [smem:$0x3FFE];
	_ =	sdelay $0x1  }
0x2: {  	s1 =	srdreg.scid  }
0x3: {  	s0 =	sand.u32 $0x1, s1  }
0x4: {  	s18 =	sshll.u32 s0, $0xA;
	s2 =	sadd.s32 s3, s2  }
0x5: {  	s2 =	sadd.s32 s2, s18  }
0x6: {  	[smem:$0x3FC7] =	sst s2  }
0x7: {  	_ = 	snop  }
0x8: {  	s2 =	sld [smem:$0x3FD0];
	(tm) =	ssettm $0x1  }
0x9: {  	s19 =	sld [smem:$0x3FFB];
	_ =	sdelay $0x3  }
0xa: {  	_ =	strace s19  }
0xb: {  	s3 =	sld [smem:$0x3FFC];
	_ =	sdelay $0x3  }
0xc: {  	_ =	strace s3  }
0xd: {  	s3 =	sld [smem:$0x3FFD];
	_ =	sdelay $0x3  }
0xe: {  	_ =	strace s3  }
0xf: {  	_ =	strace $0x8FFFFFFF  }
0x10: {  	s20 =	sld [smem:$0x3FDB];
	_ =	sdelay $0x1  }
0x11: {  	s4 =	simm.s32 $_scs_section_size  }
0x12: {  	s5 =	simm.s32 $_size__tile_overlayer_lowered;
	s6 =	simm.s32 $_tile_overlayer_lowered  }
0x13: {  	s23 =	simm.s32 $0x1BFF;
	s22 =	sshll.u32 s6, $0x1;
	s3 =	sadd.s32 s4, s20  }
0x14: {  	s7 =	simm.s32 $0x0;
	s21 =	sshll.u32 s5, $0x1;
	s5 =	sadd.s32 s22, s3  }
0x15: {  	[timem:s7], [sflag:s23] =	dma.local [hbm:s5], s21  }
0x16: {  	_ =	swait.ge [sflag:s23], s21  }
0x17: {  	s4 =	ssub.s32 $0x0, s21;
	[sflag:s23] =	ssyncset.done $0x0  }
0x18: {  	[sflag:s23] =	ssyncadd.s32 s4;
	_ =	sdelay $0x1  }
0x19: {  	s24 =	simm.s32 $0x1B8B  }
0x1a: {  	_ =	swait.ge [sflag:s24], $0x1  }
0x1b: {  	[sflag:s24] =	ssyncset.done $0x0  }
0x1c: {  	s26 =	simm.s32 $0x1B8E;
	s25 =	sld [smem:$0x3FFE];
	[sflag:s24] =	ssyncadd.s32 $0xFFFFFFFF  }
0x1d: {  	s27 =	simm.s32 $execute0_lowered;
	[smem:$0x3FD2] =	sst s26  }
0x1e: {  	s5 =	sshll.u32 s27, $0x1;
	_ =	strace $0x80000046;
	[dreg:$0x1] =	wrdreg $0xFFFFFFFF  }
0x1f: {  	s28 =	simm.s32 $_size_execute0_lowered;
	s3 =	sadd.s32 s3, s5;
	[dreg:$0x0] =	wrdreg $0x0  }
0x20: {  	s5 =	sshll.u32 s28, $0x1;
	[dreg:$0x2] =	wrdreg s3  }
0x21: {  	[dreg:$0x3] =	wrdreg s5  }
0x22: {  	[dreg:$0x4] =	wrdreg $0xC0  }
0x23: {  	_ =	task [dreg:s7], $0x5FFFF  }
0x24: {  	[dreg:$0x1] =	wrdreg $0xFFFFFFFF  }
0x25: {  	[dreg:$0x0] =	wrdreg $0x60  }
0x26: {  	[dreg:$0x2] =	wrdreg s25  }
0x27: {  	[dreg:$0x3] =	wrdreg s2  }
0x28: {  	[dreg:$0x4] =	wrdreg $0x9  }
0x29: {  	_ =	task.clear_ibuf [dreg:s7], $0x5FFFF;
	_ =	strace $0x90000046  }
0x2a: {  	s29 =	simm.s32 $0x9;
	_ =	strace $0x80000048  }
0x2b: {  	_ =	swait.ge [sflag:s29], $0x1  }
0x2c: {  	[sflag:s29] =	ssyncadd.s32 $0xFFFFFFFF  }
0x2d: {  	_ =	strace $0x90000048  }
0x2e: {  	_ =	sfence  }
0x2f: {  	s30 =	sld [smem:$0x0];
	_ =	sdelay $0x2  }
0x30: {  	s31 =	sshll.u32 s1, $0xD;
	s1 =	sshrl.u32 s1, $0x2  }
0x31: {  	s3 =	sand.u32 $0x4000, s31;
	s1 =	sadd.s32 s1, s30  }
0x32: {  	s0 =	sor.u32 s3, s0;
	s1 =	sshll.u32 s1, $0x11  }
0x33: {  	s0 =	sor.u32 s1, s0  }
0x34: {  	s0 =	sadd.s32 $0x8F2B, s0  }
0x35: {  	[sflag:s0] =	ssyncadd.remote.s32 $0x1  }
0x36: {  	_ =	sfence.sel $0xFFFF  }
0x37: {  	[dreg:$0x0] =	wrdreg $0xFFFFFFFF;
	(pc) =	sbr.abs _section_cstart, $3  }
0x38: {  	[dreg:$0x1] =	wrdreg $0xFFFFFFFF  }
0x39: {  	_ =	task.clear_ibuf [dreg:s7], $0x2FFFF;
	_ =	strace $0x9FFFFFFF  }
0x3a: {  	(tm) =	ssettm $0x7FFFFFFF  }
0x3b: {  	_ =	shalt  }
tec
execute0_lowered:
.L_overlay_start_1:
0x0: {  	(tag) =	ssettag $0x1  }
0x1: {  	s0 =	srdreg.scid  }
0x2: {  	s1 =	sshll.u32 s0, $0x4  }
0x3: {  	s4 =	rddreg [dreg:$0x0];
	s0 =	stileid.u32;
	s1 =	sand.u32 $0x10, s1  }
0x4: {  	s3 =	rddreg [dreg:$0x1];
	s1 =	sor.u32 s0, s1  }
0x5: {  	s31 =	simm.s32 $0x2;
	s14 =	simm.s32 $0x0;
	s2 =	sshll.u32 s1, $0x7  }
0x6: {  	s8 =	simm.s32 $0x200;
	s9 =	simm.s32 $0xC8000;
	s5 =	ssub.s32 $0x1000, s2  }
0x7: {  	s10 =	simm.s32 $0x0;
	s15 =	simm.s32 $0x0;
	s6 =	sand.u32 $0xF80, s5  }
0x8: {  	s11 =	simm.s32 $0x0;
	p0 =	sne.s32 s6, $0x0;
	s6 =	simm.s32 $0x1  }
.Ltmp0:
0x9: {  	s5 =	sshrl.u32 s5, $0xC;
	s6 =	simm.s32 @!p0 $0x0;
	(pc) =	sbr.rel .LBB1_1-.Ltmp0, $4  }
0xa: {  	s1 =	rddreg [dreg:$0x2];
	_ =	strace $0x80000047;
	s5 =	sadd.s32 s6, s5  }
0xb: {  	s7 =	sadd.s32 s2, s4;
	s4 =	simm.s32 $0x1;
	s5 =	smul.u32 $0x32, s5  }
0xc: {  	s12 =	simm.s32 $0x0;
	s13 =	simm.s32 $0x0;
	[sflag:s4] =	ssyncpa.u1 $0x0  }
0xd: {  	[sflag:s31] =	ssyncpa.u1 $0x0;
	s6 =	sadd.s32 $0x600, s7;
	s7 =	sor.u32 $0x1, s5  }
.LBB1_7:
0xe: {  	p0 =	slt.u32 s13, $0x2  }
0xf: {  	p1 =	sgt.s32 @!p0 s14, $0xC4  }
0x10: {  	s15 =	smov.u32 s14;
	s16 =	sshra.s32 @!p0 s14, $0x1F;
	p1 =	por !p1, p0  }
0x11: {  	s14 =	sand.u32 @!p0 s16, s14;
	s15 =	simm.s32 @p1 $0xC4  }
0x12: {  	s14 =	ssub.s32 @!p0 s15, s14  }
0x13: {  	s15 =	ssub.s32 @!p0 $0xC8, s14  }
0x14: {  	s14 =	sadd.s32 @!p0 $0xFFFFFF3C, s14;
	s15 =	smul.u32 @!p0 $0xD00, s15  }
0x15: {  	p1 =	sgt.s32 @!p0 s14, $0x3  }
0x16: {  	s16 =	sadd.s32 $0x4, s12;
	p1 =	por !p1, p0;
	s14 =	sand.u32 @!p0 $0x3FFFFF00, s15  }
0x17: {  	s14 =	simm.s32 @!p1 $0x0;
	p1 =	sgt.s32 s16, $0xC7  }
0x18: {  	s16 =	simm.s32 @p1 $0x0;
	p1 =	sne.s32 s13, s7  }
.Ltmp1:
0x19: {  	_ = 	snop;
	(pc) =	sbr.rel @!p1 .LBB1_8-.Ltmp1, $4  }
0x1a: {  	s10 =	sadd.s32 $0x4000, s10;
	s15 =	simm.s32 @!p0 $0x2  }
0x1b: {  	_ =	swait.ge @!p0 [sflag:s15], s14;
	s17 =	ssub.s32 @!p0 $0x0, s14;
	s14 =	smov.u32 s11  }
0x1c: {  	s13 =	sadd.s32 $0x1, s13;
	s11 =	smov.u32 s12;
	[sflag:s15] =	ssyncset.done @!p0 $0x0  }
0x1d: {  	s12 =	smov.u32 s16;
	[sflag:s15] =	ssyncadd.s32 @!p0 s17;
	s15 =	smov.u32 s2  }
.LBB1_1:
0x1e: {  	p0 =	sge.u32 s13, s5  }
0x1f: {  	s31 =	sadd.s32 $0xFFFFFFFF, s13;
	s16 =	sxor.u32 @!p0 $0xFFFFFFFF, s13  }
0x20: {  	s17 =	sshll.u32 @!p0 s12, $0xE;
	s18 =	simm.s32 @!p0 $0x400;
	s16 =	sshll.u32 @!p0 s16, $0xE  }
0x21: {  	s19 =	simm.s32 @!p0 $0x8000;
	s17 =	sadd.s32 @!p0 s17, s6;
	s16 =	sand.u32 @!p0 $0x4000, s16  }
0x22: {  	[tilespmem:s16], [sflag:$0x1] =	stream.strided.gather @!p0 [hbm4b:s17+s18], $0x4000, s19, s18, $0x38;
	[tilespmem:$0x10000] =	vst v63  }
0x23: {  	p0 =	sge.u32 s31, s5  }
.Ltmp2:
0x24: {  	_ = 	snop;
	(pc) =	sbr.rel @p0 .LBB1_7-.Ltmp2, $1  }
0x25: {  	_ =	sdelay $0x3  }
0x26: {  	s16 =	sand.u32 $0x4000, s10  }
0x27: {  	_ =	swait.ge [sflag:s4], $0x4000;
	s19 =	sshll.u32 s13, $0xE;
	s17 =	sor.u32 $0x8040, s16  }
0x28: {  	s18 =	sor.u32 $0x40, s16;
	[sflag:s4] =	ssyncset.done $0x0;
	s31 =	sand.u32 $0x4000, s19  }
0x29: {  	s19 =	simm.s32 $0x0;
	[sflag:s4] =	ssyncadd.s32 $0xFFFFC000;
	s16 =	sor.u32 $0x8000, s31  }
.LBB1_3:
0x2a: {  	v0 =	vmov s18;
	_ =	sdelay $0x3  }
0x2b: {  	s21 =	simm.s32 $0x0  }
0x2c: {  	v6 =	vld.idx.msk [tilespmem:v0+s21+$0x30 ss:$0x1], $0xffff  }
0x2d: {  	v7 =	vld.idx.msk [tilespmem:v0+s21+$0xFFFFFFC0 ss:$0x1], $0xffff  }
0x2e: {  	v5 =	vld.idx.msk [tilespmem:v0+s21+$0xFFFFFFD0 ss:$0x1], $0xffff  }
0x2f: {  	v4 =	vld.idx.msk [tilespmem:v0+s21+$0xFFFFFFE0 ss:$0x1], $0xffff  }
0x30: {  	v3 =	vld.idx.msk [tilespmem:v0+s21+$0xFFFFFFF0 ss:$0x1], $0xffff  }
0x31: {  	v1 =	vld.idx.msk [tilespmem:v0+s21+$0x0 ss:$0x1], $0xffff  }
0x32: {  	v2 =	vld.idx.msk [tilespmem:v0+s21+$0x10 ss:$0x1], $0xffff;
	[tilespmem:s17+$0x30] =	vst v6  }
0x33: {  	s20 =	simm.s32 $0x80;
	s22 =	simm.s32 $0x400;
	[tilespmem:s17+$0xFFFFFFC0] =	vst v7;
	v6 =	vld.idx.msk [tilespmem:v0+s21+$0x20 ss:$0x1], $0xffff;
	s21 =	smov.u32 s17  }
.LBB1_4:
0x34: {  	p0 =	sne.s32 s22, $0x3E00;
	v7 =	vld.idx.msk [tilespmem:v0+s20+$0x30 ss:$0x1], $0xffff;
	[tilespmem:s21+$0xFFFFFFD0] =	vst v5  }
0x35: {  	v8 =	vld.idx.msk [tilespmem:v0+s20+$0xFFFFFFC0 ss:$0x1], $0xffff;
	[tilespmem:s21+$0xFFFFFFE0] =	vst v4  }
0x36: {  	v5 =	vld.idx.msk [tilespmem:v0+s20+$0xFFFFFFD0 ss:$0x1], $0xffff;
	[tilespmem:s21+$0xFFFFFFF0] =	vst v3  }
.Ltmp3:
0x37: {  	v4 =	vld.idx.msk [tilespmem:v0+s20+$0xFFFFFFE0 ss:$0x1], $0xffff;
	[tilespmem:s21+$0x0] =	vst v1;
	(pc) =	sbr.rel @p0 .LBB1_4-.Ltmp3, $4  }
0x38: {  	v3 =	vld.idx.msk [tilespmem:v0+s20+$0xFFFFFFF0 ss:$0x1], $0xffff;
	[tilespmem:s21+$0x10] =	vst v2  }
0x39: {  	v1 =	vld.idx.msk [tilespmem:v0+s20+$0x0 ss:$0x1], $0xffff;
	[tilespmem:s21+$0x20] =	vst v6;
	s21 =	sadd.s32 $0x200, s21  }
0x3a: {  	v2 =	vld.idx.msk [tilespmem:v0+s20+$0x10 ss:$0x1], $0xffff;
	[tilespmem:s21+$0x30] =	vst v7  }
0x3b: {  	[tilespmem:s21+$0xFFFFFFC0] =	vst v8;
	v6 =	vld.idx.msk [tilespmem:v0+s20+$0x20 ss:$0x1], $0xffff;
	s20 =	sshra.s32 s22, $0x2;
	s22 =	sadd.s32 $0x200, s22  }
0x3c: {  	_ =	sdelay $0x2  }
0x3d: {  	[tilespmem:s21+$0xFFFFFFD0] =	vst v5  }
0x3e: {  	v56 =	vld.idx.msk [tilespmem:v0+s20+$0x30 ss:$0x1], $0xffff;
	[tilespmem:s21+$0xFFFFFFE0] =	vst v4  }
0x3f: {  	v57 =	vld.idx.msk [tilespmem:v0+s20+$0xFFFFFFC0 ss:$0x1], $0xffff;
	[tilespmem:s21+$0xFFFFFFF0] =	vst v3  }
0x40: {  	v58 =	vld.idx.msk [tilespmem:v0+s20+$0xFFFFFFD0 ss:$0x1], $0xffff;
	[tilespmem:s21+$0x0] =	vst v1  }
0x41: {  	v59 =	vld.idx.msk [tilespmem:v0+s20+$0xFFFFFFE0 ss:$0x1], $0xffff;
	[tilespmem:s21+$0x10] =	vst v2  }
0x42: {  	v60 =	vld.idx.msk [tilespmem:v0+s20+$0xFFFFFFF0 ss:$0x1], $0xffff;
	s31 =	sadd.s32 $0x200, s21;
	[tilespmem:s21+$0x20] =	vst v6  }
0x43: {  	v61 =	vld.idx.msk [tilespmem:v0+s20+$0x0 ss:$0x1], $0xffff;
	[tilespmem:s31+$0x30] =	vst v56  }
0x44: {  	v62 =	vld.idx.msk [tilespmem:v0+s20+$0x10 ss:$0x1], $0xffff;
	s19 =	sadd.s32 $0x1, s19;
	[tilespmem:s31+$0xFFFFFFC0] =	vst v57  }
0x45: {  	v63 =	vld.idx.msk [tilespmem:v0+s20+$0x20 ss:$0x1], $0xffff;
	p0 =	sne.s32 s19, $0x4;
	[tilespmem:s31+$0xFFFFFFD0] =	vst v58  }
.Ltmp4:
0x46: {  	[tilespmem:s31+$0xFFFFFFE0] =	vst v59;
	(pc) =	sbr.rel @p0 .LBB1_3-.Ltmp4, $4  }
0x47: {  	[tilespmem:s31+$0xFFFFFFF0] =	vst v60  }
0x48: {  	[tilespmem:s31+$0x0] =	vst v61  }
0x49: {  	[tilespmem:s31+$0x10] =	vst v62  }
0x4a: {  	s17 =	sadd.s32 $0x80, s17;
	s18 =	sadd.s32 $0x1000, s18;
	[tilespmem:s31+$0x20] =	vst v63  }
0x4b: {  	s17 =	sshll.u32 s11, $0xC;
	s15 =	sshll.u32 s15, $0x3;
	p0 =	sgt.s32 s11, $0xC4  }
0x4c: {  	s19 =	smov.u32 s11;
	s20 =	sshra.s32 s11, $0x1F;
	s17 =	sand.u32 $0xFFFF8000, s17  }
0x4d: {  	s19 =	simm.s32 @!p0 $0xC4;
	s20 =	sand.u32 s20, s11;
	s17 =	sadd.s32 s15, s17  }
0x4e: {  	s19 =	ssub.s32 s19, s20;
	s17 =	sshrl.u32 s17, $0xC  }
0x4f: {  	s29 =	ssub.s32 $0xC8, s19;
	s21 =	smulhi.u32 $0x147AE15, s17  }
0x50: {  	s18 =	sshll.u32 s11, $0x7;
	s31 =	smul.u32 $0xD00, s29  }
0x51: {  	s18 =	sand.u32 $0x380, s18;
	s15 =	sand.u32 $0xC00, s15;
	s28 =	smul.u32 $0xC8, s21  }
.Ltmp5:
0x52: {  	s15 =	sor.u32 s18, s15;
	s30 =	sadd.s32 $0xFFFFFF3C, s19;
	(pc) =	sbr.rel .LBB1_7-.Ltmp5, $4  }
0x53: {  	p0 =	sgt.s32 s30, $0x3;
	s15 =	sshrl.u32 s15, $0x3;
	s17 =	ssub.s32 s17, s28  }
0x54: {  	s15 =	sadd.s32 s3, s15;
	s18 =	sand.u32 $0x3FFFFF00, s31;
	s17 =	sshll.u32 s17, $0x9  }
0x55: {  	s18 =	simm.s32 @p0 $0x0;
	s15 =	sadd.s32 s17, s15  }
0x56: {  	[hbm4b:s15+s8] =	stream.strided.scatter [tilespmem:s16], [sflag:$0x2], s18, s9, s8, $0x38;
	[tilespmem:$0x10000] =	vst v63  }
.LBB1_8:
0x57: {  	_ =	sfence.sel $0x180000  }
0x58: {  	s2 =	simm.s32 $0x1;
	[bflag:$0x0] =	sbarrier.arrive $0xFFFF  }
0x59: {  	s31 =	simm.s32 $0x2;
	[sflag:s2] =	ssyncpa.u1 $0x1  }
0x5a: {  	[sflag:s31] =	ssyncpa.u1 $0x1  }
0x5b: {  	p0 =	sne.s32 s0, $0x0;
	_ =	strace $0x90000047  }
0x5c: {  	s0 =	sadd.s32 @!p0 $0x100000, s1;
	[bflag:$0x2] =	sbarrier.arrive $0xFFFF  }
0x5d: {  	[sflag:s0] =	ssyncadd.tile.s32 @!p0 $0x1;
	_ =	shalt  }
.Lfunc_end1:
_tile_overlayer_lowered:
.L_overlay_start_2:
0x5e: {  	(tag) =	ssettag $0x2  }
0x5f: {  	s0 =	rddreg [dreg:$0x0];
	s2 =	stileid.u32  }
0x60: {  	s1 =	rddreg [dreg:$0x1];
	p0 =	sne.s32 s2, $0x0  }
0x61: {  	s3 =	rddreg [dreg:$0x2];
	[bflag:$0x3] =	sbarrier.arrive $0xFFFF;
	s2 =	simm.s32 @!p0 $0x1C01  }
0x62: {  	[timem:s3], [sflag:s2] =	dma.local @!p0 [hbm:s0], s1  }
0x63: {  	s0 =	simm.s32 @!p0 $0x1  }
0x64: {  	_ =	swait.ge @!p0 [sflag:s0], s1  }
0x65: {  	s1 =	ssub.s32 @!p0 $0x0, s1;
	[sflag:s0] =	ssyncset.done @!p0 $0x0  }
0x66: {  	[sflag:s0] =	ssyncadd.s32 @!p0 s1  }
0x67: {  	[bflag:$0x3] =	sbarrier.arrive $0xFFFF  }
0x68: {  	_ =	shalt  }

</sc_bundles>
